<compile_context>
chip_gen: v7x
topology: tpu7x:2x2x1
jax: 0.10.2.dev20260603
libtpu: 0.0.44.dev20260713+nightly
codegen_flags: <defaults>
</compile_context>

<pallas_src>
import functools

import jax
import jax.numpy as jnp
from jax import lax
from jax.experimental import pallas as pl
from jax.experimental.pallas import tpu as pltpu
from jax.experimental.pallas import tpu_sc as plsc

_EMBED_DIM = 32
_NUM_IDS = 16
_NUM_SLOTS = 5
_LANES = 16

@functools.cache
def _sc_pool_kernel():
    mesh = plsc.VectorSubcoreMesh(core_axis_name="c", subcore_axis_name="s")

    @functools.partial(
        pl.kernel,
        out_type=jax.ShapeDtypeStruct((_EMBED_DIM,), jnp.float32),
        mesh=mesh,
        scratch_types=[
            pltpu.VMEM((_NUM_IDS,), jnp.int32),
            pltpu.VMEM((_NUM_SLOTS, _EMBED_DIM), jnp.float32),
            pltpu.VMEM((_EMBED_DIM,), jnp.float32),
            pltpu.SemaphoreType.DMA,
        ],
    )
    def _sc_pool(table_hbm, idx_hbm, out_hbm, idx_v, rows_v, pooled_v, sem):
        wid = lax.axis_index("s") * 2 + lax.axis_index("c")

        @pl.when(wid == 0)
        def _():
            pltpu.sync_copy(idx_hbm, idx_v)
            ids = idx_v[...]
            copies = [
                pltpu.async_copy(
                    table_hbm.at[pl.ds(ids[i], 1), :],
                    rows_v.at[pl.ds(i, 1), :],
                    sem,
                )
                for i in range(_NUM_SLOTS)
            ]
            mask = jnp.where(ids > 0, jnp.float32(1.0), jnp.float32(0.0))
            cnt = jnp.float32(0.0)
            for i in range(_NUM_SLOTS):
                cnt = cnt + mask[i]
            inv = jnp.float32(1.0)
            for n in (2, 3, 4, 5):
                inv = jnp.where(cnt > (n - 0.5), jnp.float32(1.0 / n), inv)
            for cp in copies:
                cp.wait()
            for c in range(_EMBED_DIM // _LANES):
                acc = rows_v[0, pl.ds(c * _LANES, _LANES)]
                for i in range(1, _NUM_SLOTS):
                    acc = acc + rows_v[i, pl.ds(c * _LANES, _LANES)]
                pooled_v[pl.ds(c * _LANES, _LANES)] = acc * inv
            pltpu.sync_copy(pooled_v, out_hbm)

    return _sc_pool


def _tc_mlp_body(feats_ref, w1_ref, b1_ref, w2_ref, b2_ref, w3_ref, b3_ref,
                 out_ref):
    h = jnp.dot(feats_ref[...], w1_ref[...],
                preferred_element_type=jnp.float32)
    h = jnp.maximum(h + b1_ref[...], 0.0)
    h = jnp.dot(h, w2_ref[...], preferred_element_type=jnp.float32)
    h = jnp.maximum(h + b2_ref[...], 0.0)
    out_ref[...] = (jnp.dot(h, w3_ref[...],
                            preferred_element_type=jnp.float32) + b3_ref[...])


def _tc_mlp(feats, W1, b1, W2, b2, W3, b3):
    return pl.pallas_call(
        _tc_mlp_body,
        out_shape=jax.ShapeDtypeStruct((1, W3.shape[1]), jnp.float32),
    )(feats, W1, b1, W2, b2, W3, b3)


def kernel(scalars, selection_mask, hand, hand_type, deck, jokers, emb_table,
           W1, b1, W2, b2, W3, b3):
    ids = jokers[:, 0].astype(jnp.int32)
    idx16 = jnp.zeros((_NUM_IDS,), jnp.int32).at[: ids.shape[0]].set(ids)
    pooled = _sc_pool_kernel()(emb_table, idx16)
    feats = jnp.concatenate([
        scalars, selection_mask, hand.reshape(-1), hand_type, deck, pooled,
        jokers[:, 1],
    ]).reshape(1, -1)
    out = _tc_mlp(feats, W1, b1.reshape(1, -1), W2, b2.reshape(1, -1), W3,
                  b3.reshape(1, -1))
    return out.reshape(-1)

# --- scband reference (transcript-rebuilt; emitter-appended) ---
"""Pipeline reference for scband-policy-net-42099269435825 (READ-ONLY COPY).

The authoritative reference and input builder live on the scoring server;
editing this copy changes nothing except your own understanding.
"""

import jax, jax.numpy as jnp
import numpy as np

EMBED_DIM = 32
SCALAR_COUNT = 16
SELECTION_FEATURES = 8
HAND_SIZE = 8
HAND_CARD_DIM = 16
HAND_FEATURES = HAND_SIZE * HAND_CARD_DIM
HAND_TYPE_COUNT = 12
DECK_FEATURES = 52
JOKER_SLOTS = 5
VOCAB = 1000000
INPUT_DIM = SCALAR_COUNT + SELECTION_FEATURES + HAND_FEATURES + HAND_TYPE_COUNT + DECK_FEATURES + EMBED_DIM + JOKER_SLOTS
OUT_DIM = 3 + HAND_SIZE


def setup_inputs(seed: int = 0) -> dict:
    key = jax.random.key(seed)
    ks = jax.random.split(key, 16)
    scalars = jax.random.normal(ks[0], (SCALAR_COUNT,), dtype=jnp.float32)
    selection_mask = (jax.random.uniform(ks[1], (SELECTION_FEATURES,)) > 0.5).astype(jnp.float32)
    hand = jax.random.normal(ks[2], (HAND_SIZE, HAND_CARD_DIM), dtype=jnp.float32)
    hand_type = jax.random.normal(ks[3], (HAND_TYPE_COUNT,), dtype=jnp.float32)
    deck = jax.random.normal(ks[4], (DECK_FEATURES,), dtype=jnp.float32)
    joker_ids = jax.random.randint(ks[5], (JOKER_SLOTS,), 0, VOCAB + 1).astype(jnp.float32)
    joker_enabled = (jax.random.uniform(ks[6], (JOKER_SLOTS,)) > 0.5).astype(jnp.float32)
    jokers = jnp.stack([joker_ids, joker_enabled], axis=1)
    emb_table = jax.random.normal(ks[7], (VOCAB + 1, EMBED_DIM), dtype=jnp.float32) * 0.02
    emb_table = emb_table.at[0].set(0.0)  # padding_idx=0
    W1 = jax.random.normal(ks[8], (INPUT_DIM, 128), dtype=jnp.float32) * 0.05
    b1 = jnp.zeros((128,), dtype=jnp.float32)
    W2 = jax.random.normal(ks[9], (128, 128), dtype=jnp.float32) * 0.05
    b2 = jnp.zeros((128,), dtype=jnp.float32)
    W3 = jax.random.normal(ks[10], (128, OUT_DIM), dtype=jnp.float32) * 0.05
    b3 = jnp.zeros((OUT_DIM,), dtype=jnp.float32)
    return {"scalars": scalars, "selection_mask": selection_mask, "hand": hand,
            "hand_type": hand_type, "deck": deck, "jokers": jokers,
            "emb_table": emb_table, "W1": W1, "b1": b1, "W2": W2, "b2": b2,
            "W3": W3, "b3": b3}


def reference(scalars, selection_mask, hand, hand_type, deck, jokers,
              emb_table, W1, b1, W2, b2, W3, b3):
    joker_ids = jokers[:, 0].astype(jnp.int32)
    joker_enabled = jokers[:, 1]
    joker_emb = jnp.take(emb_table, joker_ids, axis=0)
    mask = (joker_ids > 0).astype(jnp.float32)[:, None]
    msum = mask.sum()
    pooled = jnp.where(msum > 0,
                       (joker_emb * mask).sum(axis=0) / jnp.maximum(msum, 1.0),
                       jnp.zeros((EMBED_DIM,), dtype=jnp.float32))
    feats = jnp.concatenate([scalars, selection_mask, hand.reshape(-1), hand_type,
                             deck, pooled, joker_enabled])
    h = jax.nn.relu(feats @ W1 + b1)
    h = jax.nn.relu(h @ W2 + b2)
    logits = h @ W3 + b3
    return logits

if __name__ == "__main__":
    import jax
    _d = setup_inputs()
    print(jax.jit(kernel)(*tuple(_d.values())))

</pallas_src>

<mosaic_0001>
#map = affine_map<(d0, d1) -> (0, 0)>
#map1 = affine_map<(d0, d1) -> (0)>
module attributes {stable_mosaic.version = 14 : i64} {
  func.func @_sc_pool(%arg0: i32, %arg1: i32, %arg2: memref<1000001x32xf32, #tpu.memory_space<hbm>>, %arg3: memref<16xi32, #tpu.memory_space<hbm>>, %arg4: memref<32xf32, #tpu.memory_space<hbm>>, %arg5: memref<16xi32, #tpu.memory_space<vmem>>, %arg6: memref<5x32xf32, #tpu.memory_space<vmem>>, %arg7: memref<32xf32, #tpu.memory_space<vmem>>, %arg8: memref<!tpu.dma_semaphore, #tpu.memory_space<semaphore_mem>>) attributes {dimension_semantics = [#tpu.dimension_semantics<core_parallel>, #tpu.dimension_semantics<subcore_parallel>], iteration_bounds = array<i64: 2, 16>, scalar_prefetch = 0 : i64, scratch_operands = 4 : i64, tpu.core_type = #tpu.core_type<sc_vector_subcore>, window_params = [{transform_indices = #map}, {transform_indices = #map1}, {transform_indices = #map1}]} {
    %mul3A = arith.constant 2 : i32
    %mul3A_0 = arith.muli %arg1, %mul3A : i32
    %add3A = arith.addi %mul3A_0, %arg0 : i32
    %eq3A = arith.constant 0 : i32
    %eq3A_1 = arith.cmpi eq, %add3A, %eq3A : i32
    %convert_element_type3A = arith.extui %eq3A_1 : i1 to i32
    %cond3A = arith.constant 0 : i32
    %cond3A_2 = arith.cmpi ne, %convert_element_type3A, %cond3A : i32
    scf.if %cond3A_2 {
      "tpu.region"() ({
        %run_scoped3A = tpu.sem_alloc : memref<!tpu.dma_semaphore, #tpu.memory_space<semaphore_mem>>
        tpu.enqueue_dma source(%arg3 : memref<16xi32, #tpu.memory_space<hbm>>) target(%arg5 : memref<16xi32, #tpu.memory_space<vmem>>) target_semaphore(%run_scoped3A : memref<!tpu.dma_semaphore, #tpu.memory_space<semaphore_mem>>)
        tpu.wait_dma2 semaphore(%run_scoped3A : memref<!tpu.dma_semaphore, #tpu.memory_space<semaphore_mem>>) src(%arg3 : memref<16xi32, #tpu.memory_space<hbm>>) dst(%arg5 : memref<16xi32, #tpu.memory_space<vmem>>)
        tpu.yield
      }) : () -> ()
      %get3A = arith.constant 0 : index
      %get3A_3 = tpu.vector_load %arg5[%get3A] {strides = array<i32>} : memref<16xi32, #tpu.memory_space<vmem>>, vector<16xi32>,
      %get3A_4 = vector.shape_cast %get3A_3 : vector<16xi32> to vector<16xi32>
      %slice3A = vector.extract_strided_slice %get3A_4 {offsets = [0], sizes = [1], strides = [1]} : vector<16xi32> to vector<1xi32>
      %squeeze3A = vector.extract %slice3A[0] : i32 from vector<1xi32>
      %dma_start3A = arith.constant 0 : i32
      %dma_start3A_5 = arith.constant 0 : i32
      %dma_start3A_6 = tpu.memref_slice %arg6[%dma_start3A, %dma_start3A_5] : memref<5x32xf32, #tpu.memory_space<vmem>> -> memref<1x32xf32, #tpu.memory_space<vmem>>
      %dma_start3A_7 = arith.constant 0 : i32
      %dma_start3A_8 = tpu.memref_slice %arg2[%squeeze3A, %dma_start3A_7] : memref<1000001x32xf32, #tpu.memory_space<hbm>> -> memref<1x32xf32, #tpu.memory_space<hbm>>
      %dma_start3A_9 = arith.constant 0 : i32
      %dma_start3A_10 = arith.constant 0 : i32
      %dma_start3A_11 = tpu.memref_slice %arg6[%dma_start3A_9, %dma_start3A_10] : memref<5x32xf32, #tpu.memory_space<vmem>> -> memref<1x32xf32, #tpu.memory_space<vmem>>
      %dma_start3A_12 = arith.constant 0 : i32
      %dma_start3A_13 = tpu.memref_slice %arg2[%squeeze3A, %dma_start3A_12] : memref<1000001x32xf32, #tpu.memory_space<hbm>> -> memref<1x32xf32, #tpu.memory_space<hbm>>
      tpu.enqueue_dma source(%dma_start3A_13 : memref<1x32xf32, #tpu.memory_space<hbm>>) target(%dma_start3A_11 : memref<1x32xf32, #tpu.memory_space<vmem>>) target_semaphore(%arg8 : memref<!tpu.dma_semaphore, #tpu.memory_space<semaphore_mem>>)
      %slice3A_14 = vector.extract_strided_slice %get3A_4 {offsets = [1], sizes = [1], strides = [1]} : vector<16xi32> to vector<1xi32>
      %squeeze3A_15 = vector.extract %slice3A_14[0] : i32 from vector<1xi32>
      %dma_start3A_16 = arith.constant 1 : i32
      %dma_start3A_17 = arith.constant 0 : i32
      %dma_start3A_18 = tpu.memref_slice %arg6[%dma_start3A_16, %dma_start3A_17] : memref<5x32xf32, #tpu.memory_space<vmem>> -> memref<1x32xf32, #tpu.memory_space<vmem>>
      %dma_start3A_19 = arith.constant 0 : i32
      %dma_start3A_20 = tpu.memref_slice %arg2[%squeeze3A_15, %dma_start3A_19] : memref<1000001x32xf32, #tpu.memory_space<hbm>> -> memref<1x32xf32, #tpu.memory_space<hbm>>
      %dma_start3A_21 = arith.constant 1 : i32
      %dma_start3A_22 = arith.constant 0 : i32
      %dma_start3A_23 = tpu.memref_slice %arg6[%dma_start3A_21, %dma_start3A_22] : memref<5x32xf32, #tpu.memory_space<vmem>> -> memref<1x32xf32, #tpu.memory_space<vmem>>
      %dma_start3A_24 = arith.constant 0 : i32
      %dma_start3A_25 = tpu.memref_slice %arg2[%squeeze3A_15, %dma_start3A_24] : memref<1000001x32xf32, #tpu.memory_space<hbm>> -> memref<1x32xf32, #tpu.memory_space<hbm>>
      tpu.enqueue_dma source(%dma_start3A_25 : memref<1x32xf32, #tpu.memory_space<hbm>>) target(%dma_start3A_23 : memref<1x32xf32, #tpu.memory_space<vmem>>) target_semaphore(%arg8 : memref<!tpu.dma_semaphore, #tpu.memory_space<semaphore_mem>>)
      %slice3A_26 = vector.extract_strided_slice %get3A_4 {offsets = [2], sizes = [1], strides = [1]} : vector<16xi32> to vector<1xi32>
      %squeeze3A_27 = vector.extract %slice3A_26[0] : i32 from vector<1xi32>
      %dma_start3A_28 = arith.constant 2 : i32
      %dma_start3A_29 = arith.constant 0 : i32
      %dma_start3A_30 = tpu.memref_slice %arg6[%dma_start3A_28, %dma_start3A_29] : memref<5x32xf32, #tpu.memory_space<vmem>> -> memref<1x32xf32, #tpu.memory_space<vmem>>
      %dma_start3A_31 = arith.constant 0 : i32
      %dma_start3A_32 = tpu.memref_slice %arg2[%squeeze3A_27, %dma_start3A_31] : memref<1000001x32xf32, #tpu.memory_space<hbm>> -> memref<1x32xf32, #tpu.memory_space<hbm>>
      %dma_start3A_33 = arith.constant 2 : i32
      %dma_start3A_34 = arith.constant 0 : i32
      %dma_start3A_35 = tpu.memref_slice %arg6[%dma_start3A_33, %dma_start3A_34] : memref<5x32xf32, #tpu.memory_space<vmem>> -> memref<1x32xf32, #tpu.memory_space<vmem>>
      %dma_start3A_36 = arith.constant 0 : i32
      %dma_start3A_37 = tpu.memref_slice %arg2[%squeeze3A_27, %dma_start3A_36] : memref<1000001x32xf32, #tpu.memory_space<hbm>> -> memref<1x32xf32, #tpu.memory_space<hbm>>
      tpu.enqueue_dma source(%dma_start3A_37 : memref<1x32xf32, #tpu.memory_space<hbm>>) target(%dma_start3A_35 : memref<1x32xf32, #tpu.memory_space<vmem>>) target_semaphore(%arg8 : memref<!tpu.dma_semaphore, #tpu.memory_space<semaphore_mem>>)
      %slice3A_38 = vector.extract_strided_slice %get3A_4 {offsets = [3], sizes = [1], strides = [1]} : vector<16xi32> to vector<1xi32>
      %squeeze3A_39 = vector.extract %slice3A_38[0] : i32 from vector<1xi32>
      %dma_start3A_40 = arith.constant 3 : i32
      %dma_start3A_41 = arith.constant 0 : i32
      %dma_start3A_42 = tpu.memref_slice %arg6[%dma_start3A_40, %dma_start3A_41] : memref<5x32xf32, #tpu.memory_space<vmem>> -> memref<1x32xf32, #tpu.memory_space<vmem>>
      %dma_start3A_43 = arith.constant 0 : i32
      %dma_start3A_44 = tpu.memref_slice %arg2[%squeeze3A_39, %dma_start3A_43] : memref<1000001x32xf32, #tpu.memory_space<hbm>> -> memref<1x32xf32, #tpu.memory_space<hbm>>
      %dma_start3A_45 = arith.constant 3 : i32
      %dma_start3A_46 = arith.constant 0 : i32
      %dma_start3A_47 = tpu.memref_slice %arg6[%dma_start3A_45, %dma_start3A_46] : memref<5x32xf32, #tpu.memory_space<vmem>> -> memref<1x32xf32, #tpu.memory_space<vmem>>
      %dma_start3A_48 = arith.constant 0 : i32
      %dma_start3A_49 = tpu.memref_slice %arg2[%squeeze3A_39, %dma_start3A_48] : memref<1000001x32xf32, #tpu.memory_space<hbm>> -> memref<1x32xf32, #tpu.memory_space<hbm>>
      tpu.enqueue_dma source(%dma_start3A_49 : memref<1x32xf32, #tpu.memory_space<hbm>>) target(%dma_start3A_47 : memref<1x32xf32, #tpu.memory_space<vmem>>) target_semaphore(%arg8 : memref<!tpu.dma_semaphore, #tpu.memory_space<semaphore_mem>>)
      %slice3A_50 = vector.extract_strided_slice %get3A_4 {offsets = [4], sizes = [1], strides = [1]} : vector<16xi32> to vector<1xi32>
      %squeeze3A_51 = vector.extract %slice3A_50[0] : i32 from vector<1xi32>
      %dma_start3A_52 = arith.constant 4 : i32
      %dma_start3A_53 = arith.constant 0 : i32
      %dma_start3A_54 = tpu.memref_slice %arg6[%dma_start3A_52, %dma_start3A_53] : memref<5x32xf32, #tpu.memory_space<vmem>> -> memref<1x32xf32, #tpu.memory_space<vmem>>
      %dma_start3A_55 = arith.constant 0 : i32
      %dma_start3A_56 = tpu.memref_slice %arg2[%squeeze3A_51, %dma_start3A_55] : memref<1000001x32xf32, #tpu.memory_space<hbm>> -> memref<1x32xf32, #tpu.memory_space<hbm>>
      %dma_start3A_57 = arith.constant 4 : i32
      %dma_start3A_58 = arith.constant 0 : i32
      %dma_start3A_59 = tpu.memref_slice %arg6[%dma_start3A_57, %dma_start3A_58] : memref<5x32xf32, #tpu.memory_space<vmem>> -> memref<1x32xf32, #tpu.memory_space<vmem>>
      %dma_start3A_60 = arith.constant 0 : i32
      %dma_start3A_61 = tpu.memref_slice %arg2[%squeeze3A_51, %dma_start3A_60] : memref<1000001x32xf32, #tpu.memory_space<hbm>> -> memref<1x32xf32, #tpu.memory_space<hbm>>
      tpu.enqueue_dma source(%dma_start3A_61 : memref<1x32xf32, #tpu.memory_space<hbm>>) target(%dma_start3A_59 : memref<1x32xf32, #tpu.memory_space<vmem>>) target_semaphore(%arg8 : memref<!tpu.dma_semaphore, #tpu.memory_space<semaphore_mem>>)
      %gt3A = arith.constant 0 : i32
      %gt3A_62 = vector.broadcast %gt3A : i32 to vector<16xi32>
      %gt3A_63 = arith.cmpi sgt, %get3A_4, %gt3A_62 : vector<16xi32>
      %jit3A = arith.constant 1.000000e+00 : f32
      %jit3A_64 = arith.constant 0.000000e+00 : f32
      %broadcast_in_dim3A = vector.broadcast %jit3A : f32 to vector<16xf32>
      %broadcast_in_dim3A_65 = vector.broadcast %jit3A_64 : f32 to vector<16xf32>
      %select_n3A = arith.select %gt3A_63, %broadcast_in_dim3A, %broadcast_in_dim3A_65 : vector<16xi1>, vector<16xf32>
      %slice3A_66 = vector.extract_strided_slice %select_n3A {offsets = [0], sizes = [1], strides = [1]} : vector<16xf32> to vector<1xf32>
      %squeeze3A_67 = vector.extract %slice3A_66[0] : f32 from vector<1xf32>
      %add3A_68 = arith.constant 0.000000e+00 : f32
      %add3A_69 = arith.addf %add3A_68, %squeeze3A_67 : f32
      %slice3A_70 = vector.extract_strided_slice %select_n3A {offsets = [1], sizes = [1], strides = [1]} : vector<16xf32> to vector<1xf32>
      %squeeze3A_71 = vector.extract %slice3A_70[0] : f32 from vector<1xf32>
      %add3A_72 = arith.addf %add3A_69, %squeeze3A_71 : f32
      %slice3A_73 = vector.extract_strided_slice %select_n3A {offsets = [2], sizes = [1], strides = [1]} : vector<16xf32> to vector<1xf32>
      %squeeze3A_74 = vector.extract %slice3A_73[0] : f32 from vector<1xf32>
      %add3A_75 = arith.addf %add3A_72, %squeeze3A_74 : f32
      %slice3A_76 = vector.extract_strided_slice %select_n3A {offsets = [3], sizes = [1], strides = [1]} : vector<16xf32> to vector<1xf32>
      %squeeze3A_77 = vector.extract %slice3A_76[0] : f32 from vector<1xf32>
      %add3A_78 = arith.addf %add3A_75, %squeeze3A_77 : f32
      %slice3A_79 = vector.extract_strided_slice %select_n3A {offsets = [4], sizes = [1], strides = [1]} : vector<16xf32> to vector<1xf32>
      %squeeze3A_80 = vector.extract %slice3A_79[0] : f32 from vector<1xf32>
      %add3A_81 = arith.addf %add3A_78, %squeeze3A_80 : f32
      %gt3A_82 = arith.constant 1.500000e+00 : f32
      %gt3A_83 = arith.cmpf ogt, %add3A_81, %gt3A_82 : f32
      %jit3A_84 = arith.constant 5.000000e-01 : f32
      %jit3A_85 = arith.constant 1.000000e+00 : f32
      %select_n3A_86 = arith.select %gt3A_83, %jit3A_84, %jit3A_85 : f32
      %gt3A_87 = arith.constant 2.500000e+00 : f32
      %gt3A_88 = arith.cmpf ogt, %add3A_81, %gt3A_87 : f32
      %jit3A_89 = arith.constant 0.333333343 : f32
      %select_n3A_90 = arith.select %gt3A_88, %jit3A_89, %select_n3A_86 : f32
      %gt3A_91 = arith.constant 3.500000e+00 : f32
      %gt3A_92 = arith.cmpf ogt, %add3A_81, %gt3A_91 : f32
      %jit3A_93 = arith.constant 2.500000e-01 : f32
      %select_n3A_94 = arith.select %gt3A_92, %jit3A_93, %select_n3A_90 : f32
      %gt3A_95 = arith.constant 4.500000e+00 : f32
      %gt3A_96 = arith.cmpf ogt, %add3A_81, %gt3A_95 : f32
      %jit3A_97 = arith.constant 2.000000e-01 : f32
      %select_n3A_98 = arith.select %gt3A_96, %jit3A_97, %select_n3A_94 : f32
      %dma_wait3A = arith.constant 0 : i32
      %dma_wait3A_99 = arith.constant 0 : i32
      %dma_wait3A_100 = tpu.memref_slice %arg6[%dma_wait3A, %dma_wait3A_99] : memref<5x32xf32, #tpu.memory_space<vmem>> -> memref<1x32xf32, #tpu.memory_space<vmem>>
      %dma_wait3A_101 = arith.constant 0 : i32
      %dma_wait3A_102 = tpu.memref_slice %arg2[%squeeze3A, %dma_wait3A_101] : memref<1000001x32xf32, #tpu.memory_space<hbm>> -> memref<1x32xf32, #tpu.memory_space<hbm>>
      %dma_wait3A_103 = arith.constant 0 : i32
      %dma_wait3A_104 = arith.constant 0 : i32
      %dma_wait3A_105 = tpu.memref_slice %arg6[%dma_wait3A_103, %dma_wait3A_104] : memref<5x32xf32, #tpu.memory_space<vmem>> -> memref<1x32xf32, #tpu.memory_space<vmem>>
      %dma_wait3A_106 = arith.constant 0 : i32
      %dma_wait3A_107 = tpu.memref_slice %arg2[%squeeze3A, %dma_wait3A_106] : memref<1000001x32xf32, #tpu.memory_space<hbm>> -> memref<1x32xf32, #tpu.memory_space<hbm>>
      tpu.wait_dma2 semaphore(%arg8 : memref<!tpu.dma_semaphore, #tpu.memory_space<semaphore_mem>>) src(%dma_wait3A_107 : memref<1x32xf32, #tpu.memory_space<hbm>>) dst(%dma_wait3A_105 : memref<1x32xf32, #tpu.memory_space<vmem>>)
      %dma_wait3A_108 = arith.constant 1 : i32
      %dma_wait3A_109 = arith.constant 0 : i32
      %dma_wait3A_110 = tpu.memref_slice %arg6[%dma_wait3A_108, %dma_wait3A_109] : memref<5x32xf32, #tpu.memory_space<vmem>> -> memref<1x32xf32, #tpu.memory_space<vmem>>
      %dma_wait3A_111 = arith.constant 0 : i32
      %dma_wait3A_112 = tpu.memref_slice %arg2[%squeeze3A_15, %dma_wait3A_111] : memref<1000001x32xf32, #tpu.memory_space<hbm>> -> memref<1x32xf32, #tpu.memory_space<hbm>>
      %dma_wait3A_113 = arith.constant 1 : i32
      %dma_wait3A_114 = arith.constant 0 : i32
      %dma_wait3A_115 = tpu.memref_slice %arg6[%dma_wait3A_113, %dma_wait3A_114] : memref<5x32xf32, #tpu.memory_space<vmem>> -> memref<1x32xf32, #tpu.memory_space<vmem>>
      %dma_wait3A_116 = arith.constant 0 : i32
      %dma_wait3A_117 = tpu.memref_slice %arg2[%squeeze3A_15, %dma_wait3A_116] : memref<1000001x32xf32, #tpu.memory_space<hbm>> -> memref<1x32xf32, #tpu.memory_space<hbm>>
      tpu.wait_dma2 semaphore(%arg8 : memref<!tpu.dma_semaphore, #tpu.memory_space<semaphore_mem>>) src(%dma_wait3A_117 : memref<1x32xf32, #tpu.memory_space<hbm>>) dst(%dma_wait3A_115 : memref<1x32xf32, #tpu.memory_space<vmem>>)
      %dma_wait3A_118 = arith.constant 2 : i32
      %dma_wait3A_119 = arith.constant 0 : i32
      %dma_wait3A_120 = tpu.memref_slice %arg6[%dma_wait3A_118, %dma_wait3A_119] : memref<5x32xf32, #tpu.memory_space<vmem>> -> memref<1x32xf32, #tpu.memory_space<vmem>>
      %dma_wait3A_121 = arith.constant 0 : i32
      %dma_wait3A_122 = tpu.memref_slice %arg2[%squeeze3A_27, %dma_wait3A_121] : memref<1000001x32xf32, #tpu.memory_space<hbm>> -> memref<1x32xf32, #tpu.memory_space<hbm>>
      %dma_wait3A_123 = arith.constant 2 : i32
      %dma_wait3A_124 = arith.constant 0 : i32
      %dma_wait3A_125 = tpu.memref_slice %arg6[%dma_wait3A_123, %dma_wait3A_124] : memref<5x32xf32, #tpu.memory_space<vmem>> -> memref<1x32xf32, #tpu.memory_space<vmem>>
      %dma_wait3A_126 = arith.constant 0 : i32
      %dma_wait3A_127 = tpu.memref_slice %arg2[%squeeze3A_27, %dma_wait3A_126] : memref<1000001x32xf32, #tpu.memory_space<hbm>> -> memref<1x32xf32, #tpu.memory_space<hbm>>
      tpu.wait_dma2 semaphore(%arg8 : memref<!tpu.dma_semaphore, #tpu.memory_space<semaphore_mem>>) src(%dma_wait3A_127 : memref<1x32xf32, #tpu.memory_space<hbm>>) dst(%dma_wait3A_125 : memref<1x32xf32, #tpu.memory_space<vmem>>)
      %dma_wait3A_128 = arith.constant 3 : i32
      %dma_wait3A_129 = arith.constant 0 : i32
      %dma_wait3A_130 = tpu.memref_slice %arg6[%dma_wait3A_128, %dma_wait3A_129] : memref<5x32xf32, #tpu.memory_space<vmem>> -> memref<1x32xf32, #tpu.memory_space<vmem>>
      %dma_wait3A_131 = arith.constant 0 : i32
      %dma_wait3A_132 = tpu.memref_slice %arg2[%squeeze3A_39, %dma_wait3A_131] : memref<1000001x32xf32, #tpu.memory_space<hbm>> -> memref<1x32xf32, #tpu.memory_space<hbm>>
      %dma_wait3A_133 = arith.constant 3 : i32
      %dma_wait3A_134 = arith.constant 0 : i32
      %dma_wait3A_135 = tpu.memref_slice %arg6[%dma_wait3A_133, %dma_wait3A_134] : memref<5x32xf32, #tpu.memory_space<vmem>> -> memref<1x32xf32, #tpu.memory_space<vmem>>
      %dma_wait3A_136 = arith.constant 0 : i32
      %dma_wait3A_137 = tpu.memref_slice %arg2[%squeeze3A_39, %dma_wait3A_136] : memref<1000001x32xf32, #tpu.memory_space<hbm>> -> memref<1x32xf32, #tpu.memory_space<hbm>>
      tpu.wait_dma2 semaphore(%arg8 : memref<!tpu.dma_semaphore, #tpu.memory_space<semaphore_mem>>) src(%dma_wait3A_137 : memref<1x32xf32, #tpu.memory_space<hbm>>) dst(%dma_wait3A_135 : memref<1x32xf32, #tpu.memory_space<vmem>>)
      %dma_wait3A_138 = arith.constant 4 : i32
      %dma_wait3A_139 = arith.constant 0 : i32
      %dma_wait3A_140 = tpu.memref_slice %arg6[%dma_wait3A_138, %dma_wait3A_139] : memref<5x32xf32, #tpu.memory_space<vmem>> -> memref<1x32xf32, #tpu.memory_space<vmem>>
      %dma_wait3A_141 = arith.constant 0 : i32
      %dma_wait3A_142 = tpu.memref_slice %arg2[%squeeze3A_51, %dma_wait3A_141] : memref<1000001x32xf32, #tpu.memory_space<hbm>> -> memref<1x32xf32, #tpu.memory_space<hbm>>
      %dma_wait3A_143 = arith.constant 4 : i32
      %dma_wait3A_144 = arith.constant 0 : i32
      %dma_wait3A_145 = tpu.memref_slice %arg6[%dma_wait3A_143, %dma_wait3A_144] : memref<5x32xf32, #tpu.memory_space<vmem>> -> memref<1x32xf32, #tpu.memory_space<vmem>>
      %dma_wait3A_146 = arith.constant 0 : i32
      %dma_wait3A_147 = tpu.memref_slice %arg2[%squeeze3A_51, %dma_wait3A_146] : memref<1000001x32xf32, #tpu.memory_space<hbm>> -> memref<1x32xf32, #tpu.memory_space<hbm>>
      tpu.wait_dma2 semaphore(%arg8 : memref<!tpu.dma_semaphore, #tpu.memory_space<semaphore_mem>>) src(%dma_wait3A_147 : memref<1x32xf32, #tpu.memory_space<hbm>>) dst(%dma_wait3A_145 : memref<1x32xf32, #tpu.memory_space<vmem>>)
      %get3A_148 = arith.constant 0 : i32
      %get3A_149 = arith.index_cast %get3A_148 : i32 to index
      %get3A_150 = arith.constant 0 : index
      %get3A_151 = tpu.vector_load %arg6[%get3A_149, %get3A_150] {strides = array<i32>} : memref<5x32xf32, #tpu.memory_space<vmem>>, vector<1x16xf32>,
      %get3A_152 = vector.shape_cast %get3A_151 : vector<1x16xf32> to vector<16xf32>
      %get3A_153 = arith.constant 1 : i32
      %get3A_154 = arith.index_cast %get3A_153 : i32 to index
      %get3A_155 = arith.constant 0 : index
      %get3A_156 = tpu.vector_load %arg6[%get3A_154, %get3A_155] {strides = array<i32>} : memref<5x32xf32, #tpu.memory_space<vmem>>, vector<1x16xf32>,
      %get3A_157 = vector.shape_cast %get3A_156 : vector<1x16xf32> to vector<16xf32>
      %add3A_158 = arith.addf %get3A_152, %get3A_157 : vector<16xf32>
      %get3A_159 = arith.constant 2 : i32
      %get3A_160 = arith.index_cast %get3A_159 : i32 to index
      %get3A_161 = arith.constant 0 : index
      %get3A_162 = tpu.vector_load %arg6[%get3A_160, %get3A_161] {strides = array<i32>} : memref<5x32xf32, #tpu.memory_space<vmem>>, vector<1x16xf32>,
      %get3A_163 = vector.shape_cast %get3A_162 : vector<1x16xf32> to vector<16xf32>
      %add3A_164 = arith.addf %add3A_158, %get3A_163 : vector<16xf32>
      %get3A_165 = arith.constant 3 : i32
      %get3A_166 = arith.index_cast %get3A_165 : i32 to index
      %get3A_167 = arith.constant 0 : index
      %get3A_168 = tpu.vector_load %arg6[%get3A_166, %get3A_167] {strides = array<i32>} : memref<5x32xf32, #tpu.memory_space<vmem>>, vector<1x16xf32>,
      %get3A_169 = vector.shape_cast %get3A_168 : vector<1x16xf32> to vector<16xf32>
      %add3A_170 = arith.addf %add3A_164, %get3A_169 : vector<16xf32>
      %get3A_171 = arith.constant 4 : i32
      %get3A_172 = arith.index_cast %get3A_171 : i32 to index
      %get3A_173 = arith.constant 0 : index
      %get3A_174 = tpu.vector_load %arg6[%get3A_172, %get3A_173] {strides = array<i32>} : memref<5x32xf32, #tpu.memory_space<vmem>>, vector<1x16xf32>,
      %get3A_175 = vector.shape_cast %get3A_174 : vector<1x16xf32> to vector<16xf32>
      %add3A_176 = arith.addf %add3A_170, %get3A_175 : vector<16xf32>
      %mul3A_177 = vector.broadcast %select_n3A_98 : f32 to vector<16xf32>
      %mul3A_178 = arith.mulf %add3A_176, %mul3A_177 : vector<16xf32>
      %swap3A = arith.constant 0 : index
      %swap3A_179 = tpu.vector_load %arg7[%swap3A] {strides = array<i32>} : memref<32xf32, #tpu.memory_space<vmem>>, vector<16xf32>,
      %swap3A_180 = vector.shape_cast %swap3A_179 : vector<16xf32> to vector<16xf32>
      %swap3A_181 = vector.shape_cast %mul3A_178 : vector<16xf32> to vector<16xf32>
      tpu.vector_store %arg7[%swap3A], %swap3A_181 {strides = array<i32>} : memref<32xf32, #tpu.memory_space<vmem>>, vector<16xf32>,
      %get3A_182 = arith.constant 0 : i32
      %get3A_183 = arith.index_cast %get3A_182 : i32 to index
      %get3A_184 = arith.constant 16 : index
      %get3A_185 = tpu.vector_load %arg6[%get3A_183, %get3A_184] {strides = array<i32>} : memref<5x32xf32, #tpu.memory_space<vmem>>, vector<1x16xf32>,
      %get3A_186 = vector.shape_cast %get3A_185 : vector<1x16xf32> to vector<16xf32>
      %get3A_187 = arith.constant 1 : i32
      %get3A_188 = arith.index_cast %get3A_187 : i32 to index
      %get3A_189 = arith.constant 16 : index
      %get3A_190 = tpu.vector_load %arg6[%get3A_188, %get3A_189] {strides = array<i32>} : memref<5x32xf32, #tpu.memory_space<vmem>>, vector<1x16xf32>,
      %get3A_191 = vector.shape_cast %get3A_190 : vector<1x16xf32> to vector<16xf32>
      %add3A_192 = arith.addf %get3A_186, %get3A_191 : vector<16xf32>
      %get3A_193 = arith.constant 2 : i32
      %get3A_194 = arith.index_cast %get3A_193 : i32 to index
      %get3A_195 = arith.constant 16 : index
      %get3A_196 = tpu.vector_load %arg6[%get3A_194, %get3A_195] {strides = array<i32>} : memref<5x32xf32, #tpu.memory_space<vmem>>, vector<1x16xf32>,
      %get3A_197 = vector.shape_cast %get3A_196 : vector<1x16xf32> to vector<16xf32>
      %add3A_198 = arith.addf %add3A_192, %get3A_197 : vector<16xf32>
      %get3A_199 = arith.constant 3 : i32
      %get3A_200 = arith.index_cast %get3A_199 : i32 to index
      %get3A_201 = arith.constant 16 : index
      %get3A_202 = tpu.vector_load %arg6[%get3A_200, %get3A_201] {strides = array<i32>} : memref<5x32xf32, #tpu.memory_space<vmem>>, vector<1x16xf32>,
      %get3A_203 = vector.shape_cast %get3A_202 : vector<1x16xf32> to vector<16xf32>
      %add3A_204 = arith.addf %add3A_198, %get3A_203 : vector<16xf32>
      %get3A_205 = arith.constant 4 : i32
      %get3A_206 = arith.index_cast %get3A_205 : i32 to index
      %get3A_207 = arith.constant 16 : index
      %get3A_208 = tpu.vector_load %arg6[%get3A_206, %get3A_207] {strides = array<i32>} : memref<5x32xf32, #tpu.memory_space<vmem>>, vector<1x16xf32>,
      %get3A_209 = vector.shape_cast %get3A_208 : vector<1x16xf32> to vector<16xf32>
      %add3A_210 = arith.addf %add3A_204, %get3A_209 : vector<16xf32>
      %mul3A_211 = vector.broadcast %select_n3A_98 : f32 to vector<16xf32>
      %mul3A_212 = arith.mulf %add3A_210, %mul3A_211 : vector<16xf32>
      %swap3A_213 = arith.constant 16 : index
      %swap3A_214 = tpu.vector_load %arg7[%swap3A_213] {strides = array<i32>} : memref<32xf32, #tpu.memory_space<vmem>>, vector<16xf32>,
      %swap3A_215 = vector.shape_cast %swap3A_214 : vector<16xf32> to vector<16xf32>
      %swap3A_216 = vector.shape_cast %mul3A_212 : vector<16xf32> to vector<16xf32>
      tpu.vector_store %arg7[%swap3A_213], %swap3A_216 {strides = array<i32>} : memref<32xf32, #tpu.memory_space<vmem>>, vector<16xf32>,
      "tpu.region"() ({
        %run_scoped3A = tpu.sem_alloc : memref<!tpu.dma_semaphore, #tpu.memory_space<semaphore_mem>>
        tpu.enqueue_dma source(%arg7 : memref<32xf32, #tpu.memory_space<vmem>>) target(%arg4 : memref<32xf32, #tpu.memory_space<hbm>>) target_semaphore(%run_scoped3A : memref<!tpu.dma_semaphore, #tpu.memory_space<semaphore_mem>>)
        tpu.wait_dma2 semaphore(%run_scoped3A : memref<!tpu.dma_semaphore, #tpu.memory_space<semaphore_mem>>) src(%arg7 : memref<32xf32, #tpu.memory_space<vmem>>) dst(%arg4 : memref<32xf32, #tpu.memory_space<hbm>>)
        tpu.yield
      }) : () -> ()
    } else {
    }
    return
  }
}

module attributes {stable_mosaic.version = 14 : i64} {
  func.func @_tc_mlp_body(%arg0: memref<1x253xf32, #tpu.memory_space<vmem>>, %arg1: memref<253x128xf32, #tpu.memory_space<vmem>>, %arg2: memref<1x128xf32, #tpu.memory_space<vmem>>, %arg3: memref<128x128xf32, #tpu.memory_space<vmem>>, %arg4: memref<1x128xf32, #tpu.memory_space<vmem>>, %arg5: memref<128x11xf32, #tpu.memory_space<vmem>>, %arg6: memref<1x11xf32, #tpu.memory_space<vmem>>, %arg7: memref<1x11xf32, #tpu.memory_space<vmem>>) attributes {dimension_semantics = [], scalar_prefetch = 0 : i64, scratch_operands = 0 : i64, tpu.core_type = #tpu.core_type<tc>} {
    %get3A = arith.constant 0 : index
    %get3A_0 = arith.constant 0 : index
    %get3A_1 = vector.load %arg0[%get3A, %get3A_0] : memref<1x253xf32, #tpu.memory_space<vmem>>, vector<1x253xf32>
    %get3A_2 = arith.constant 0 : index
    %get3A_3 = arith.constant 0 : index
    %get3A_4 = vector.load %arg1[%get3A_2, %get3A_3] : memref<253x128xf32, #tpu.memory_space<vmem>>, vector<253x128xf32>
    %dot_general3A = arith.constant dense<0.000000e+00> : vector<1x128xf32>
    %dot_general3A_5 = tpu.matmul %get3A_1, %get3A_4, %dot_general3A {dimension_numbers = #tpu.dot_dimension_numbers<[1], [0], [0], [1], [0, 0, 1, 1], [], []>, transpose_lhs_hint = false} : vector<1x253xf32>, vector<253x128xf32>, vector<1x128xf32> -> vector<1x128xf32>
    %get3A_6 = arith.constant 0 : index
    %get3A_7 = arith.constant 0 : index
    %get3A_8 = vector.load %arg2[%get3A_6, %get3A_7] : memref<1x128xf32, #tpu.memory_space<vmem>>, vector<1x128xf32>
    %add3A = arith.addf %dot_general3A_5, %get3A_8 : vector<1x128xf32>
    %max3A = arith.constant 0.000000e+00 : f32
    %max3A_9 = vector.broadcast %max3A : f32 to vector<1x128xf32>
    %max3A_10 = arith.maximumf %add3A, %max3A_9 : vector<1x128xf32>
    %get3A_11 = arith.constant 0 : index
    %get3A_12 = arith.constant 0 : index
    %get3A_13 = vector.load %arg3[%get3A_11, %get3A_12] : memref<128x128xf32, #tpu.memory_space<vmem>>, vector<128x128xf32>
    %dot_general3A_14 = arith.constant dense<0.000000e+00> : vector<1x128xf32>
    %dot_general3A_15 = tpu.matmul %max3A_10, %get3A_13, %dot_general3A_14 {dimension_numbers = #tpu.dot_dimension_numbers<[1], [0], [0], [1], [0, 0, 1, 1], [], []>, transpose_lhs_hint = false} : vector<1x128xf32>, vector<128x128xf32>, vector<1x128xf32> -> vector<1x128xf32>
    %get3A_16 = arith.constant 0 : index
    %get3A_17 = arith.constant 0 : index
    %get3A_18 = vector.load %arg4[%get3A_16, %get3A_17] : memref<1x128xf32, #tpu.memory_space<vmem>>, vector<1x128xf32>
    %add3A_19 = arith.addf %dot_general3A_15, %get3A_18 : vector<1x128xf32>
    %max3A_20 = arith.constant 0.000000e+00 : f32
    %max3A_21 = vector.broadcast %max3A_20 : f32 to vector<1x128xf32>
    %max3A_22 = arith.maximumf %add3A_19, %max3A_21 : vector<1x128xf32>
    %get3A_23 = arith.constant 0 : index
    %get3A_24 = arith.constant 0 : index
    %get3A_25 = vector.load %arg5[%get3A_23, %get3A_24] : memref<128x11xf32, #tpu.memory_space<vmem>>, vector<128x11xf32>
    %dot_general3A_26 = arith.constant dense<0.000000e+00> : vector<1x11xf32>
    %dot_general3A_27 = tpu.matmul %max3A_22, %get3A_25, %dot_general3A_26 {dimension_numbers = #tpu.dot_dimension_numbers<[1], [0], [0], [1], [0, 0, 1, 1], [], []>, transpose_lhs_hint = false} : vector<1x128xf32>, vector<128x11xf32>, vector<1x11xf32> -> vector<1x11xf32>
    %get3A_28 = arith.constant 0 : index
    %get3A_29 = arith.constant 0 : index
    %get3A_30 = vector.load %arg6[%get3A_28, %get3A_29] : memref<1x11xf32, #tpu.memory_space<vmem>>, vector<1x11xf32>
    %add3A_31 = arith.addf %dot_general3A_27, %get3A_30 : vector<1x11xf32>
    %swap3A = arith.constant 0 : index
    %swap3A_32 = arith.constant 0 : index
    %swap3A_33 = vector.load %arg7[%swap3A, %swap3A_32] : memref<1x11xf32, #tpu.memory_space<vmem>>, vector<1x11xf32>
    tpu.vector_store %arg7[%swap3A, %swap3A_32], %add3A_31 {strides = array<i32>} : memref<1x11xf32, #tpu.memory_space<vmem>>, vector<1x11xf32>,
    return
  }
}

</mosaic_0001>

<sc_bundles>
// kernel: kernel.4.cloned.1.call-start
scs
__scs_entry_jumppad:
0x0: {  	(pc) =	sbr.rel $0x88, $3  }
0x1: {  	(tag) =	ssettag $0x0;
	lr =	simm.s32 $0x1  }
0x2: {  	[smem:$0x3F94] =	sst lr;
	_ =	strace $0xD0000000  }
0x3: {  	_ = 	snop  }
0x4: {  	_ = 	snop  }
0x5: {  	_ = 	snop  }
0x6: {  	_ = 	snop  }
0x7: {  	_ = 	snop  }
__scs_overlays_trampoline_lowered:
0x8: {  	[smem:$0x3FA3] =	sst s0  }
0x9: {  	[smem:$0x3FA4] =	sst s1  }
0xa: {  	[smem:$0x3FA5] =	sst s2  }
0xb: {  	[smem:$0x3FA6] =	sst s3  }
0xc: {  	[smem:$0x3FA7] =	sst s4  }
0xd: {  	[smem:$0x3FA8] =	sst s5  }
0xe: {  	[smem:$0x3FA9] =	sst s6  }
0xf: {  	[smem:$0x3FAA] =	sst s7  }
0x10: {  	[smem:$0x3FAB] =	sst s8  }
0x11: {  	[smem:$0x3FAC] =	sst s9;
	s0 =	simm.s32 @!p0 $0x0  }
0x12: {  	s1 =	sld [smem:$0x3F92];
	s0 =	simm.s32 @p0 $0x1  }
0x13: {  	[smem:$0x3FAD] =	sst s0;
	s0 =	simm.s32 @!p1 $0x0  }
0x14: {  	s2 =	sld [smem:$0x3F91];
	s0 =	simm.s32 @p1 $0x1  }
0x15: {  	[smem:$0x3FAE] =	sst s0;
	s0 =	simm.s32 @!p2 $0x0  }
0x16: {  	s3 =	sld [smem:$0x3FDB];
	s0 =	simm.s32 @p2 $0x1  }
0x17: {  	s4 =	simm.s32 $0x1BF5;
	[smem:$0x3FB0] =	sst s0  }
0x18: {  	s0 =	sld [smem:$0x3F93];
	_ =	swait.ge [sflag:s4], $0x0  }
0x19: {  	s7 =	sld [smem:$0x3F94]  }
0x1a: {  	s8 =	sadd.s32 $0xFFFFE003, lr  }
0x1b: {  	s9 =	sadd.s32 $0xFFFFFEF7, lr;
	s5 =	simm.s32 $0xFFFFFFFF;
	p2 =	slt.u32 s8, $0xFFFFF086  }
0x1c: {  	p1 =	slt.u32 s9, $0xF7A;
	s5 =	simm.s32 @!p2 $0x0  }
0x1d: {  	s5 =	simm.s32 @p1 $0x1;
	p0 =	seq.s32 s7, s2  }
0x1e: {  	s7 =	smul.u32 @!p0 $0xF7A, s2;
	p2 =	seq.s32 @!p0 s5, $0x0  }
0x1f: {  	s9 =	smul.u32 $0xF7A, s1;
	s8 =	simm.s32 @!p0 $0x1BF5;
	p2 =	por !p2, p0  }
0x20: {  	[sflag:s8] =	ssyncset.s32 @!p0 $0xFFFFF086;
	s6 =	sadd.s32 @!p0 s3, s7;
	s7 =	simm.s32 @!p0 $0x108  }
0x21: {  	s3 =	sadd.s32 s3, s9;
	s6 =	sadd.s32 @!p0 $0x88, s6;
	s7 =	simm.s32 @p2 $0x1082  }
0x22: {  	[simem:s7], [sflag:s8] =	dma.local @!p0 [hbm:s6], $0xF7A  }
0x23: {  	s9 =	sor.u32 $0xD0000000, s2;
	s6 =	simm.s32 $0x108;
	_ =	swait.ge @!p0 [sflag:s8], $0x0  }
0x24: {  	s3 =	sadd.s32 $0x88, s3;
	s6 =	simm.s32 @!p1 $0x1082;
	[sflag:s4] =	ssyncset.s32 $0xFFFFF086  }
0x25: {  	[simem:s6], [sflag:s4] =	dma.local [hbm:s3], $0xF7A  }
0x26: {  	[smem:$0x3F94] =	sst s1;
	(tag) =	ssettag s2;
	_ =	strace s9  }
0x27: {  	s1 =	sld [smem:$0x3FA4]  }
0x28: {  	s2 =	sld [smem:$0x3FA5]  }
0x29: {  	s4 =	sld [smem:$0x3FA7]  }
0x2a: {  	p0 =	seq.s32 s5, $0x0;
	s5 =	sld [smem:$0x3FA8]  }
0x2b: {  	s6 =	sld [smem:$0x3FA9]  }
0x2c: {  	s7 =	sld [smem:$0x3FAA]  }
0x2d: {  	s3 =	simm.s32 $0x108;
	s8 =	sld [smem:$0x3FAB]  }
0x2e: {  	s3 =	simm.s32 @!p0 $0x1082;
	s9 =	sld [smem:$0x3FAC]  }
0x2f: {  	lr =	sadd.s32 s0, s3;
	s0 =	sld [smem:$0x3FA3]  }
0x30: {  	s3 =	sld [smem:$0x3FA6]  }
0x31: {  	[smem:$0x3FAF] =	sst s10  }
0x32: {  	s10 =	sld [smem:$0x3FAD];
	_ =	sdelay $0x3  }
0x33: {  	p0 =	seq.s32 s10, $0x1;
	s10 =	sld [smem:$0x3FAF];
	_ =	sdelay $0x3  }
0x34: {  	[smem:$0x3FAF] =	sst s10  }
0x35: {  	s10 =	sld [smem:$0x3FAE];
	_ =	sdelay $0x3  }
0x36: {  	p1 =	seq.s32 s10, $0x1;
	s10 =	sld [smem:$0x3FAF];
	_ =	sdelay $0x3  }
0x37: {  	[smem:$0x3FAF] =	sst s10  }
0x38: {  	s10 =	sld [smem:$0x3FB0]  }
0x39: {  	_ = 	snop;
	(pc) =	sbr.ind lr, $3  }
0x3a: {  	_ = 	snop  }
0x3b: {  	_ = 	snop  }
0x3c: {  	p2 =	seq.s32 s10, $0x1;
	s10 =	sld [smem:$0x3FAF]  }
0x3d: {  	_ =	shalt  }
0x3e: {  	_ =	shalt  }
0x3f: {  	_ =	shalt  }
0x40: {  	_ =	shalt  }
0x41: {  	_ =	shalt  }
0x42: {  	_ =	shalt  }
0x43: {  	_ =	shalt  }
0x44: {  	_ =	shalt  }
0x45: {  	_ =	shalt  }
0x46: {  	_ =	shalt  }
0x47: {  	_ =	shalt  }
0x48: {  	_ =	shalt  }
0x49: {  	_ =	shalt  }
0x4a: {  	_ =	shalt  }
0x4b: {  	_ =	shalt  }
0x4c: {  	_ =	shalt  }
0x4d: {  	_ =	shalt  }
0x4e: {  	_ =	shalt  }
0x4f: {  	_ =	shalt  }
0x50: {  	_ =	shalt  }
0x51: {  	_ =	shalt  }
0x52: {  	_ =	shalt  }
0x53: {  	_ =	shalt  }
0x54: {  	_ =	shalt  }
0x55: {  	_ =	shalt  }
0x56: {  	_ =	shalt  }
0x57: {  	_ =	shalt  }
0x58: {  	_ =	shalt  }
0x59: {  	_ =	shalt  }
0x5a: {  	_ =	shalt  }
0x5b: {  	_ =	shalt  }
0x5c: {  	_ =	shalt  }
0x5d: {  	_ =	shalt  }
0x5e: {  	_ =	shalt  }
0x5f: {  	_ =	shalt  }
0x60: {  	_ =	shalt  }
0x61: {  	_ =	shalt  }
0x62: {  	_ =	shalt  }
0x63: {  	_ =	shalt  }
0x64: {  	_ =	shalt  }
0x65: {  	_ =	shalt  }
0x66: {  	_ =	shalt  }
0x67: {  	_ =	shalt  }
0x68: {  	_ =	shalt  }
0x69: {  	_ =	shalt  }
0x6a: {  	_ =	shalt  }
0x6b: {  	_ =	shalt  }
0x6c: {  	_ =	shalt  }
0x6d: {  	_ =	shalt  }
0x6e: {  	_ =	shalt  }
0x6f: {  	_ =	shalt  }
0x70: {  	_ =	shalt  }
0x71: {  	_ =	shalt  }
0x72: {  	_ =	shalt  }
0x73: {  	_ =	shalt  }
0x74: {  	_ =	shalt  }
0x75: {  	_ =	shalt  }
0x76: {  	_ =	shalt  }
0x77: {  	_ =	shalt  }
0x78: {  	_ =	shalt  }
0x79: {  	_ =	shalt  }
0x7a: {  	_ =	shalt  }
0x7b: {  	_ =	shalt  }
0x7c: {  	_ =	shalt  }
0x7d: {  	_ =	shalt  }
0x7e: {  	_ =	shalt  }
0x7f: {  	_ =	shalt  }
0x80: {  	_ =	shalt  }
0x81: {  	_ =	shalt  }
0x82: {  	_ =	shalt  }
0x83: {  	_ =	shalt  }
0x84: {  	_ =	shalt  }
0x85: {  	_ =	shalt  }
0x86: {  	_ =	shalt  }
0x87: {  	_ =	shalt  }
.Lfunc_end0:
.L_simem_size_0:
called_computation_lowered:
.L_overlay_start_0:
0x88: {  	s2 =	sld [smem:$0x3FD9]  }
0x89: {  	s3 =	sld [smem:$0x3FFE];
	_ =	sdelay $0x1  }
0x8a: {  	s1 =	srdreg.scid  }
0x8b: {  	s0 =	sand.u32 $0x1, s1  }
0x8c: {  	s16 =	sshll.u32 s0, $0xA;
	s2 =	sadd.s32 s3, s2  }
0x8d: {  	s2 =	sadd.s32 s2, s16  }
0x8e: {  	[smem:$0x3FBB] =	sst s2  }
0x8f: {  	_ = 	snop  }
0x90: {  	(tm) =	ssettm $0x1  }
0x91: {  	s17 =	sld [smem:$0x3FFB];
	_ =	sdelay $0x3  }
0x92: {  	_ =	strace s17  }
0x93: {  	s2 =	sld [smem:$0x3FFC];
	_ =	sdelay $0x3  }
0x94: {  	_ =	strace s2  }
0x95: {  	s2 =	sld [smem:$0x3FFD];
	_ =	sdelay $0x3  }
0x96: {  	_ =	strace s2  }
0x97: {  	_ =	strace $0x8FFFFFFF  }
0x98: {  	s18 =	sld [smem:$0x3FDB];
	_ =	sdelay $0x1  }
0x99: {  	s19 =	simm.s32 $_scs_section_size  }
0x9a: {  	s4 =	simm.s32 $_size__tile_overlayer_lowered;
	s5 =	simm.s32 $_tile_overlayer_lowered  }
0x9b: {  	s22 =	simm.s32 $0x1BFF;
	s21 =	sshll.u32 s5, $0x1;
	s2 =	sadd.s32 s19, s18  }
0x9c: {  	s6 =	simm.s32 $0x0;
	s20 =	sshll.u32 s4, $0x1;
	s4 =	sadd.s32 s21, s2  }
0x9d: {  	[timem:s6], [sflag:s22] =	dma.local [hbm:s4], s20  }
0x9e: {  	_ =	swait.ge [sflag:s22], s20  }
0x9f: {  	s3 =	ssub.s32 $0x0, s20;
	[sflag:s22] =	ssyncset.done $0x0  }
0xa0: {  	[sflag:s22] =	ssyncadd.s32 s3;
	_ =	sdelay $0x1  }
0xa1: {  	s23 =	simm.s32 $0x1B8B  }
0xa2: {  	_ =	swait.ge [sflag:s23], $0x1  }
0xa3: {  	[sflag:s23] =	ssyncset.done $0x0  }
0xa4: {  	s25 =	simm.s32 $0x1B8E;
	s24 =	sld [smem:$0x3FFE];
	[sflag:s23] =	ssyncadd.s32 $0xFFFFFFFF  }
0xa5: {  	s26 =	simm.s32 $execute0_lowered;
	[smem:$0x3FD2] =	sst s25  }
0xa6: {  	s4 =	sshll.u32 s26, $0x1;
	_ =	strace $0x80000046;
	[dreg:$0x1] =	wrdreg $0xFFFFFFFF  }
0xa7: {  	s28 =	simm.s32 $_size_execute0_lowered;
	s2 =	sadd.s32 s2, s4;
	[dreg:$0x0] =	wrdreg $0x0  }
0xa8: {  	s4 =	sshll.u32 s28, $0x1;
	[dreg:$0x2] =	wrdreg s2  }
0xa9: {  	[dreg:$0x3] =	wrdreg s4  }
0xaa: {  	[dreg:$0x4] =	wrdreg $0xC0  }
0xab: {  	_ =	task [dreg:s6], $0x5FFFF  }
0xac: {  	[dreg:$0x1] =	wrdreg $0xFFFFFFFF  }
0xad: {  	[dreg:$0x0] =	wrdreg $0x60  }
0xae: {  	[dreg:$0x2] =	wrdreg s24  }
0xaf: {  	[dreg:$0x3] =	wrdreg $0x9  }
0xb0: {  	_ =	task.clear_ibuf [dreg:s6], $0x4FFFF;
	_ =	strace $0x90000046  }
0xb1: {  	s29 =	simm.s32 $0x9;
	_ =	strace $0x80000048  }
0xb2: {  	_ =	swait.ge [sflag:s29], $0x1  }
0xb3: {  	[sflag:s29] =	ssyncadd.s32 $0xFFFFFFFF  }
0xb4: {  	_ =	strace $0x90000048  }
0xb5: {  	_ =	sfence  }
0xb6: {  	s30 =	sld [smem:$0x0];
	_ =	sdelay $0x2  }
0xb7: {  	s31 =	sshll.u32 s1, $0xD;
	s1 =	sshrl.u32 s1, $0x2  }
0xb8: {  	s3 =	sand.u32 $0x4000, s31;
	s1 =	sadd.s32 s1, s30  }
0xb9: {  	s0 =	sor.u32 s3, s0;
	s1 =	sshll.u32 s1, $0x11  }
0xba: {  	s0 =	sor.u32 s1, s0  }
0xbb: {  	s0 =	sadd.s32 $0x8F2B, s0  }
0xbc: {  	[sflag:s0] =	ssyncadd.remote.s32 $0x1  }
0xbd: {  	_ =	sfence.sel $0xFFFF  }
0xbe: {  	[dreg:$0x0] =	wrdreg $0xFFFFFFFF;
	(pc) =	sbr.abs _section_cstart, $3  }
0xbf: {  	[dreg:$0x1] =	wrdreg $0xFFFFFFFF  }
0xc0: {  	_ =	task.clear_ibuf [dreg:s6], $0x2FFFF;
	_ =	strace $0x9FFFFFFF  }
0xc1: {  	(tm) =	ssettm $0x7FFFFFFF  }
tec
execute0_lowered:
.L_overlay_start_1:
0x0: {  	(tag) =	ssettag $0x1  }
0x1: {  	s1 =	srdreg.scid  }
0x2: {  	s7 =	sand.u32 $0x1, s1;
	s1 =	stileid.u32  }
0x3: {  	s3 =	sshll.u32 s1, $0x1;
	s4 =	ssub.s32 $0x0, s7  }
0x4: {  	p0 =	sne.s32 s3, s4  }
.Ltmp0:
0x5: {  	_ = 	snop;
	(pc) =	sbr.rel @p0 .LBB2_4-.Ltmp0, $4  }
0x6: {  	_ = 	snop  }
0x7: {  	s6 =	rddreg [dreg:$0x0];
	s2 =	simm.s32 $0x0  }
0x8: {  	[smem:$0x7FF] =	sst s2  }
0x9: {  	s0 =	rddreg [dreg:$0x1];
	_ =	strace $0x80000047  }
0xa: {  	s3 =	sadd.s32 $0x2000, s6  }
0xb: {  	s12 =	simm.s32 $0x80;
	[dreg:$0x2] =	wrdreg s3  }
0xc: {  	s13 =	simm.s32 $0x100;
	[dreg:$0x3] =	wrdreg s12  }
0xd: {  	s14 =	simm.s32 $0x180;
	[dreg:$0x4] =	wrdreg s13  }
0xe: {  	s15 =	simm.s32 $0x200;
	[dreg:$0x5] =	wrdreg s14  }
0xf: {  	s16 =	simm.s32 $0x280;
	[dreg:$0x6] =	wrdreg s15  }
0x10: {  	s5 =	simm.f32 $5.000000000e-01;
	[dreg:$0x7] =	wrdreg s16  }
0x11: {  	[dreg:$0x8] =	wrdreg s5  }
0x12: {  	s3 =	simm.s32 $0x2;
	s4 =	rddreg [dreg:$0x2]  }
0x13: {  	[tilespmem:s2], [sflag:$0x2] =	stream.linear.gather [hbm4b:s4+s2], $0x80, $0x38;
	[tilespmem:$0x500] =	vst v63  }
0x14: {  	_ =	swait.ge [sflag:s3], $0x80  }
0x15: {  	[sflag:s3] =	ssyncset.done $0x0  }
0x16: {  	[sflag:s3] =	ssyncadd.s32 $0xFFFFFF80  }
0x17: {  	v1 =	vld [tilespmem:$0x0];
	_ =	sdelay $0x4  }
0x18: {  	v2 =	vshll.u32 v1, $0x4  }
0x19: {  	v0 =	vimm.f32 $0.0e+00;
	vm0 =	vgt.s32 v1, $0x0;
	(v2sf) =	vpush v2, $0x0  }
0x1a: {  	v1 =	vsel vm0, $0x3F800000, v0;
	(v2sf) =	vpush v2, $0x1  }
0x1b: {  	(v2sf) =	vpush v1, $0x0;
	_ =	sdelay $0x1  }
0x1c: {  	(v2sf) =	vpush v2, $0x2  }
0x1d: {  	(v2sf) =	vpush v2, $0x3;
	_ =	sdelay $0x1  }
0x1e: {  	(v2sf) =	vpush v2, $0x4;
	_ =	sdelay $0x1  }
0x1f: {  	(v2sf) =	vpush v1, $0x1;
	_ =	sdelay $0x1  }
0x20: {  	(v2sf) =	vpush v1, $0x2;
	_ =	sdelay $0x2  }
0x21: {  	s5 =	simm.s32 $0x1  }
0x22: {  	s4 =	sadd.s32 $0x2200, s6;
	s8 =	rddreg [dreg:$0x3];
	(v2sf) =	vpush v1, $0x3;
	s10 =	spop (v2sf)  }
0x23: {  	s9 =	rddreg [dreg:$0x4];
	s10 =	sand.u32 $0x1FFFFFF0, s10;
	s12 =	spop (v2sf)  }
0x24: {  	s11 =	rddreg [dreg:$0x5];
	s10 =	sadd.s32 s4, s10;
	s13 =	spop (v2sf)  }
0x25: {  	(v2sf) =	vpush v1, $0x4;
	[tilespmem:s8], [sflag:$0x1] =	stream.linear.gather [hbm4b:s10+s2], $0x80, $0x38;
	[tilespmem:$0x500] =	vst v63  }
0x26: {  	s21 =	rddreg [dreg:$0x6];
	s12 =	sand.u32 $0x1FFFFFF0, s12;
	s19 =	spop (v2sf)  }
0x27: {  	s17 =	sadd.s32 s4, s12;
	s20 =	sand.u32 $0x1FFFFFF0, s19;
	s22 =	spop (v2sf)  }
0x28: {  	[tilespmem:s9], [sflag:$0x1] =	stream.linear.gather [hbm4b:s17+s2], $0x80, $0x38;
	[tilespmem:$0x500] =	vst v63  }
0x29: {  	s8 =	sadd.s32 s4, s20;
	s12 =	sand.u32 $0x1FFFFFF0, s22;
	s14 =	spop (v2sf)  }
0x2a: {  	[tilespmem:s11], [sflag:$0x1] =	stream.linear.gather [hbm4b:s8+s2], $0x80, $0x38;
	[tilespmem:$0x500] =	vst v63  }
0x2b: {  	s23 =	sadd.s32 s4, s12;
	s24 =	sand.u32 $0x1FFFFFF0, s14;
	s25 =	spop (v2sf)  }
0x2c: {  	[tilespmem:s21], [sflag:$0x1] =	stream.linear.gather [hbm4b:s23+s2], $0x80, $0x38;
	[tilespmem:$0x500] =	vst v63  }
0x2d: {  	s18 =	rddreg [dreg:$0x7];
	s26 =	sadd.s32 s4, s24;
	s28 =	spop (v2sf)  }
0x2e: {  	[tilespmem:s18], [sflag:$0x1] =	stream.linear.gather [hbm4b:s26+s2], $0x80, $0x38;
	[tilespmem:$0x500] =	vst v63  }
0x2f: {  	s9 =	rddreg [dreg:$0x8];
	_ =	swait.ge [sflag:s5], $0x80  }
0x30: {  	[sflag:s5] =	ssyncset.done $0x0  }
0x31: {  	s29 =	spop (v2sf);
	[sflag:s5] =	ssyncadd.s32 $0xFFFFFF80  }
0x32: {  	_ =	swait.ge [sflag:s5], $0x80  }
0x33: {  	[sflag:s5] =	ssyncset.done $0x0  }
0x34: {  	s30 =	spop (v2sf);
	[sflag:s5] =	ssyncadd.s32 $0xFFFFFF80  }
0x35: {  	s12 =	sadd.f32 s25, s13;
	_ =	swait.ge [sflag:s5], $0x80  }
0x36: {  	[sflag:s5] =	ssyncset.done $0x0  }
0x37: {  	s11 =	sadd.f32 s12, s28;
	[sflag:s5] =	ssyncadd.s32 $0xFFFFFF80  }
0x38: {  	s7 =	ssub.s32 $0x2, s7;
	_ =	swait.ge [sflag:s5], $0x80  }
0x39: {  	s31 =	sshrl.u32 s7, $0x1;
	s8 =	sadd.f32 s11, s29;
	[sflag:s5] =	ssyncset.done $0x0  }
0x3a: {  	s7 =	ssub.s32 s7, s31;
	[sflag:s5] =	ssyncadd.s32 $0xFFFFFF80  }
0x3b: {  	s10 =	sadd.f32 s8, s30;
	s8 =	smax.u32 s7, $0x1;
	_ =	swait.ge [sflag:s5], $0x80  }
0x3c: {  	p2 =	sne.s32 s8, $0x1;
	[sflag:s5] =	ssyncset.done $0x0  }
.Ltmp1:
0x3d: {  	p0 =	sgt.f32 s10, $1.500000000e+00;
	[sflag:s5] =	ssyncadd.s32 $0xFFFFFF80;
	(pc) =	sbr.rel @!p2 .LBB2_3-.Ltmp1, $4  }
0x3e: {  	p1 =	sgt.f32 s10, $2.500000000e+00;
	v1 =	vld [tilespmem:$0x90]  }
0x3f: {  	s9 =	simm.s32 @!p0 $0x3F800000;
	p0 =	sgt.f32 s10, $3.500000000e+00;
	v2 =	vld [tilespmem:$0x80]  }
0x40: {  	s6 =	sadd.s32 $0xF44800, s6;
	s9 =	simm.s32 @p1 $0x3EAAAAAB;
	v4 =	vld [tilespmem:$0x100]  }
0x41: {  	s7 =	simm.s32 $0x480;
	s8 =	sadd.s32 $0xFFFFFFFF, s8;
	s9 =	simm.s32 @p0 $0x3E800000;
	v3 =	vld [tilespmem:$0x110]  }
.LBB2_2:
0x42: {  	v5 =	vld [tilespmem:$0x180]  }
0x43: {  	v6 =	vld [tilespmem:$0x190]  }
0x44: {  	v7 =	vld [tilespmem:$0x200]  }
0x45: {  	v2 =	vadd.f32 v4, v2;
	v4 =	vld [tilespmem:$0x210]  }
0x46: {  	v8 =	vld [tilespmem:$0x280];
	v1 =	vadd.f32 v3, v1  }
0x47: {  	v3 =	vld [tilespmem:$0x290];
	v2 =	vadd.f32 v5, v2  }
0x48: {  	v1 =	vadd.f32 v6, v1  }
0x49: {  	v2 =	vadd.f32 v7, v2  }
0x4a: {  	p1 =	sgt.f32 s10, $4.500000000e+00;
	v1 =	vadd.f32 v4, v1  }
0x4b: {  	v2 =	vadd.f32 v8, v2  }
0x4c: {  	s9 =	simm.s32 @p1 $0x3E4CCCCD;
	v1 =	vadd.f32 v3, v1  }
0x4d: {  	v2 =	vmul.f32 s9, v2  }
0x4e: {  	v1 =	vmul.f32 s9, v1  }
0x4f: {  	[tilespmem:$0x480] =	vst v2  }
0x50: {  	[tilespmem:$0x490] =	vst v1  }
0x51: {  	[hbm4b:s6+s2] =	stream.linear.scatter [tilespmem:s7], [sflag:$0x2], $0x80, $0x38;
	[tilespmem:$0x500] =	vst v63  }
0x52: {  	_ =	swait.ge [sflag:s3], $0x80  }
0x53: {  	[sflag:s3] =	ssyncset.done $0x0  }
0x54: {  	s30 =	rddreg [dreg:$0x2];
	[sflag:s3] =	ssyncadd.s32 $0xFFFFFF80  }
0x55: {  	[tilespmem:s2], [sflag:$0x2] =	stream.linear.gather [hbm4b:s30+s2], $0x80, $0x38;
	[tilespmem:$0x500] =	vst v63  }
0x56: {  	_ =	swait.ge [sflag:s3], $0x80  }
0x57: {  	[sflag:s3] =	ssyncset.done $0x0  }
0x58: {  	[sflag:s3] =	ssyncadd.s32 $0xFFFFFF80  }
0x59: {  	v1 =	vld [tilespmem:$0x0];
	_ =	sdelay $0x4  }
0x5a: {  	v2 =	vshll.u32 v1, $0x4  }
0x5b: {  	vm0 =	vgt.s32 v1, $0x0;
	(v2sf) =	vpush v2, $0x0  }
0x5c: {  	v1 =	vsel vm0, $0x3F800000, v0;
	(v2sf) =	vpush v2, $0x1  }
0x5d: {  	(v2sf) =	vpush v1, $0x0;
	_ =	sdelay $0x1  }
0x5e: {  	(v2sf) =	vpush v2, $0x2  }
0x5f: {  	(v2sf) =	vpush v2, $0x3;
	_ =	sdelay $0x1  }
0x60: {  	(v2sf) =	vpush v2, $0x4;
	_ =	sdelay $0x1  }
0x61: {  	(v2sf) =	vpush v1, $0x1;
	_ =	sdelay $0x1  }
0x62: {  	(v2sf) =	vpush v1, $0x2;
	_ =	sdelay $0x3  }
0x63: {  	s31 =	rddreg [dreg:$0x3];
	(v2sf) =	vpush v1, $0x3;
	s15 =	spop (v2sf)  }
0x64: {  	s11 =	rddreg [dreg:$0x4];
	s13 =	sand.u32 $0x1FFFFFF0, s15;
	s14 =	spop (v2sf)  }
0x65: {  	s12 =	rddreg [dreg:$0x5];
	s13 =	sadd.s32 s4, s13;
	s15 =	spop (v2sf)  }
0x66: {  	(v2sf) =	vpush v1, $0x4;
	[tilespmem:s31], [sflag:$0x1] =	stream.linear.gather [hbm4b:s13+s2], $0x80, $0x38;
	[tilespmem:$0x500] =	vst v63  }
0x67: {  	s20 =	rddreg [dreg:$0x6];
	s14 =	sand.u32 $0x1FFFFFF0, s14;
	s18 =	spop (v2sf)  }
0x68: {  	s16 =	sadd.s32 s4, s14;
	s19 =	sand.u32 $0x1FFFFFF0, s18;
	s21 =	spop (v2sf)  }
0x69: {  	[tilespmem:s11], [sflag:$0x1] =	stream.linear.gather [hbm4b:s16+s2], $0x80, $0x38;
	[tilespmem:$0x500] =	vst v63  }
0x6a: {  	s10 =	sadd.s32 s4, s19;
	s14 =	sand.u32 $0x1FFFFFF0, s21;
	s16 =	spop (v2sf)  }
0x6b: {  	[tilespmem:s12], [sflag:$0x1] =	stream.linear.gather [hbm4b:s10+s2], $0x80, $0x38;
	[tilespmem:$0x500] =	vst v63  }
0x6c: {  	s22 =	sadd.s32 s4, s14;
	s23 =	sand.u32 $0x1FFFFFF0, s16;
	s24 =	spop (v2sf)  }
0x6d: {  	[tilespmem:s20], [sflag:$0x1] =	stream.linear.gather [hbm4b:s22+s2], $0x80, $0x38;
	[tilespmem:$0x500] =	vst v63  }
0x6e: {  	s17 =	rddreg [dreg:$0x7];
	s25 =	sadd.s32 s4, s23;
	s28 =	spop (v2sf)  }
0x6f: {  	[tilespmem:s17], [sflag:$0x1] =	stream.linear.gather [hbm4b:s25+s2], $0x80, $0x38;
	[tilespmem:$0x500] =	vst v63  }
0x70: {  	s9 =	rddreg [dreg:$0x8];
	_ =	swait.ge [sflag:s5], $0x80  }
0x71: {  	[sflag:s5] =	ssyncset.done $0x0  }
0x72: {  	s30 =	spop (v2sf);
	[sflag:s5] =	ssyncadd.s32 $0xFFFFFF80  }
0x73: {  	_ =	swait.ge [sflag:s5], $0x80  }
0x74: {  	[sflag:s5] =	ssyncset.done $0x0  }
0x75: {  	s31 =	spop (v2sf);
	[sflag:s5] =	ssyncadd.s32 $0xFFFFFF80  }
0x76: {  	s26 =	sadd.f32 s24, s15;
	_ =	swait.ge [sflag:s5], $0x80  }
0x77: {  	[sflag:s5] =	ssyncset.done $0x0  }
0x78: {  	s29 =	sadd.f32 s26, s28;
	[sflag:s5] =	ssyncadd.s32 $0xFFFFFF80  }
0x79: {  	_ =	swait.ge [sflag:s5], $0x80  }
0x7a: {  	s10 =	sadd.f32 s29, s30;
	[sflag:s5] =	ssyncset.done $0x0  }
0x7b: {  	[sflag:s5] =	ssyncadd.s32 $0xFFFFFF80  }
0x7c: {  	s10 =	sadd.f32 s10, s31;
	_ =	swait.ge [sflag:s5], $0x80  }
0x7d: {  	p0 =	sne.s32 s8, $0x1;
	[sflag:s5] =	ssyncset.done $0x0  }
.Ltmp2:
0x7e: {  	p1 =	sgt.f32 s10, $1.500000000e+00;
	[sflag:s5] =	ssyncadd.s32 $0xFFFFFF80;
	(pc) =	sbr.rel @p0 .LBB2_2-.Ltmp2, $4  }
0x7f: {  	p2 =	sgt.f32 s10, $2.500000000e+00;
	v1 =	vld [tilespmem:$0x90]  }
0x80: {  	s9 =	simm.s32 @!p1 $0x3F800000;
	p1 =	sgt.f32 s10, $3.500000000e+00;
	v2 =	vld [tilespmem:$0x80]  }
0x81: {  	s9 =	simm.s32 @p2 $0x3EAAAAAB;
	v4 =	vld [tilespmem:$0x100]  }
0x82: {  	s8 =	sadd.s32 $0xFFFFFFFF, s8;
	s9 =	simm.s32 @p1 $0x3E800000;
	v3 =	vld [tilespmem:$0x110]  }
.LBB2_3:
0x83: {  	v0 =	vld [tilespmem:$0x180]  }
0x84: {  	v5 =	vld [tilespmem:$0x190]  }
0x85: {  	v6 =	vld [tilespmem:$0x200]  }
0x86: {  	v62 =	vld [tilespmem:$0x210];
	v2 =	vadd.f32 v4, v2  }
0x87: {  	v7 =	vld [tilespmem:$0x280];
	v1 =	vadd.f32 v3, v1  }
0x88: {  	v63 =	vld [tilespmem:$0x290];
	v0 =	vadd.f32 v0, v2  }
0x89: {  	v1 =	vadd.f32 v5, v1  }
0x8a: {  	v0 =	vadd.f32 v6, v0  }
0x8b: {  	p0 =	sgt.f32 s10, $4.500000000e+00;
	v1 =	vadd.f32 v62, v1  }
0x8c: {  	v0 =	vadd.f32 v7, v0  }
0x8d: {  	s9 =	simm.s32 @p0 $0x3E4CCCCD;
	v1 =	vadd.f32 v63, v1  }
0x8e: {  	v0 =	vmul.f32 s9, v0  }
0x8f: {  	v1 =	vmul.f32 s9, v1  }
0x90: {  	[tilespmem:$0x480] =	vst v0  }
0x91: {  	[tilespmem:$0x490] =	vst v1  }
0x92: {  	[hbm4b:s6+s2] =	stream.linear.scatter [tilespmem:s7], [sflag:$0x2], $0x80, $0x38;
	[tilespmem:$0x500] =	vst v63  }
0x93: {  	_ =	swait.ge [sflag:s3], $0x80  }
0x94: {  	[sflag:s3] =	ssyncset.done $0x0  }
0x95: {  	[sflag:s3] =	ssyncadd.s32 $0xFFFFFF80  }
.LBB2_4:
0x96: {  	_ =	sfence.sel $0x180000  }
0x97: {  	[bflag:$0x0] =	sbarrier.arrive $0xFFFF  }
0x98: {  	p0 =	sne.s32 s1, $0x0;
	_ =	strace $0x90000047  }
0x99: {  	s0 =	sadd.s32 @!p0 $0x100000, s0;
	[bflag:$0x2] =	sbarrier.arrive $0xFFFF  }
0x9a: {  	[sflag:s0] =	ssyncadd.tile.s32 @!p0 $0x1;
	_ =	shalt  }
.Lfunc_end2:
_tile_overlayer_lowered:
.L_overlay_start_2:
0x9b: {  	(tag) =	ssettag $0x2  }
0x9c: {  	s0 =	rddreg [dreg:$0x0];
	s2 =	stileid.u32  }
0x9d: {  	s1 =	rddreg [dreg:$0x1];
	p0 =	sne.s32 s2, $0x0  }
0x9e: {  	s3 =	rddreg [dreg:$0x2];
	[bflag:$0x3] =	sbarrier.arrive $0xFFFF;
	s2 =	simm.s32 @!p0 $0x1C02  }
0x9f: {  	[timem:s3], [sflag:s2] =	dma.local @!p0 [hbm:s0], s1  }
0xa0: {  	s0 =	simm.s32 @!p0 $0x2  }
0xa1: {  	_ =	swait.ge @!p0 [sflag:s0], s1  }
0xa2: {  	s1 =	ssub.s32 @!p0 $0x0, s1;
	[sflag:s0] =	ssyncset.done @!p0 $0x0  }
0xa3: {  	[sflag:s0] =	ssyncadd.s32 @!p0 s1  }
0xa4: {  	[bflag:$0x3] =	sbarrier.arrive $0xFFFF  }
0xa5: {  	_ =	shalt  }

</sc_bundles>
